<compile_context>
chip_gen: v7x
topology: tpu7x:2x2x1
jax: 0.10.2.dev20260603
libtpu: 0.0.44.dev20260713+nightly
codegen_flags: <defaults>
</compile_context>

<pallas_src>
import functools

import jax
from jax import lax
from jax.experimental import pallas as pl
from jax.experimental.pallas import tpu as pltpu
from jax.experimental.pallas import tpu_sc as plsc

_NUM_CORES = 2
_NUM_SUBCORES = 16
_CHUNKS = ((0, 24), (24, 40), (64, 32))
_LAST_OFF = 96
_LAST_ROWS = (24, 40)
_ROWS_C0 = _LAST_OFF + _LAST_ROWS[0]
_ROWS_PAIR = 2 * _LAST_OFF + sum(_LAST_ROWS)
_MAX_CHUNK_ROWS = 40
_NBUF = 3


@functools.partial(jax.jit, static_argnums=(1, 2))
def _position_embedding(table, seq_len, dim):
    assert seq_len == _NUM_SUBCORES * _ROWS_PAIR and dim % 128 == 0
    mesh = plsc.VectorSubcoreMesh(
        core_axis_name="c", subcore_axis_name="s", num_cores=_NUM_CORES
    )

    @functools.partial(
        pl.kernel,
        out_type=jax.ShapeDtypeStruct((seq_len, dim), table.dtype),
        mesh=mesh,
        scratch_types=[
            pltpu.VMEM((_NBUF, _MAX_CHUNK_ROWS, dim), table.dtype),
            pltpu.SemaphoreType.DMA((_NBUF,)),
            pltpu.SemaphoreType.DMA((_NBUF,)),
        ],
    )
    def copy_kernel(table_hbm, out_hbm, buf, in_sems, out_sems):
        cid = lax.axis_index("c")
        sid = lax.axis_index("s")
        base = sid * _ROWS_PAIR + cid * _ROWS_C0

        def dma_in(off, rows, b):
            return pltpu.make_async_copy(
                table_hbm.at[pl.ds(base + off, rows)],
                buf.at[b, pl.ds(0, rows)],
                in_sems.at[b],
            )

        def dma_out(off, rows, b):
            return pltpu.make_async_copy(
                buf.at[b, pl.ds(0, rows)],
                out_hbm.at[pl.ds(base + off, rows)],
                out_sems.at[b],
            )

        for b, (off, rows) in enumerate(_CHUNKS):
            dma_in(off, rows, b).start()
        dma_in(*_CHUNKS[0], 0).wait()
        dma_out(*_CHUNKS[0], 0).start()
        dma_out(*_CHUNKS[0], 0).wait()
        for core, rows in enumerate(_LAST_ROWS):
            @pl.when(cid == core)
            def _(rows=rows):
                dma_in(_LAST_OFF, rows, 0).start()
        dma_in(*_CHUNKS[1], 1).wait()
        dma_out(*_CHUNKS[1], 1).start()
        dma_in(*_CHUNKS[2], 2).wait()
        dma_out(*_CHUNKS[2], 2).start()
        for core, rows in enumerate(_LAST_ROWS):
            @pl.when(cid == core)
            def _(rows=rows):
                dma_in(_LAST_OFF, rows, 0).wait()
                dma_out(_LAST_OFF, rows, 0).start()
                dma_out(_LAST_OFF, rows, 0).wait()
        dma_out(*_CHUNKS[1], 1).wait()
        dma_out(*_CHUNKS[2], 2).wait()

    return copy_kernel(table)


def kernel(inputs, table):
    seq_len = inputs.shape[-1]
    return _position_embedding(table, seq_len, table.shape[1])

# --- scband reference (transcript-rebuilt; emitter-appended) ---
"""Pipeline reference for scband-position-embedding-58428735095614 (READ-ONLY COPY).

The authoritative reference and input builder live on the scoring server;
editing this copy changes nothing except your own understanding.
"""

import jax, jax.numpy as jnp
import numpy as np

MAXLEN = 8192
OUTPUT_DIM = 1024

def setup_inputs(seed: int = 0) -> dict:
    key = jax.random.key(seed)
    k1, k2 = jax.random.split(key)
    inputs = jax.random.randint(k1, (4, 4096), 0, MAXLEN, dtype=jnp.int64 if jax.config.jax_enable_x64 else jnp.int32)
    # learned position embedding table, sized per init_kwargs (maxlen x output_dim)
    table = jax.random.normal(k2, (MAXLEN, OUTPUT_DIM), dtype=jnp.float32) * 0.02
    return {"inputs": inputs, "table": table}

def reference(inputs, table):
    # Faithful translation of PositionEmbedding.call:
    # maxlen = tf.shape(inputs)[-1]; positions = tf.range(maxlen); return embedding(positions)
    seq_len = inputs.shape[-1]
    positions = jnp.arange(0, seq_len, 1)
    return jnp.take(table, positions, axis=0)

if __name__ == "__main__":
    import jax
    _d = setup_inputs()
    print(jax.jit(kernel)(*tuple(_d.values())))

</pallas_src>

<mosaic_0001>
#map = affine_map<(d0, d1) -> (0, 0)>
module attributes {stable_mosaic.version = 14 : i64} {
  func.func @copy_kernel(%arg0: i32, %arg1: i32, %arg2: memref<8192x1024xf32, #tpu.memory_space<hbm>>, %arg3: memref<4096x1024xf32, #tpu.memory_space<hbm>>, %arg4: memref<3x40x1024xf32, #tpu.memory_space<vmem>>, %arg5: memref<3x!tpu.dma_semaphore, #tpu.memory_space<semaphore_mem>>, %arg6: memref<3x!tpu.dma_semaphore, #tpu.memory_space<semaphore_mem>>) attributes {dimension_semantics = [#tpu.dimension_semantics<core_parallel>, #tpu.dimension_semantics<subcore_parallel>], iteration_bounds = array<i64: 2, 16>, scalar_prefetch = 0 : i64, scratch_operands = 3 : i64, tpu.core_type = #tpu.core_type<sc_vector_subcore>, window_params = [{transform_indices = #map}, {transform_indices = #map}]} {
    %mul3A = arith.constant 256 : i32
    %mul3A_0 = arith.muli %arg1, %mul3A : i32
    %mul3A_1 = arith.constant 120 : i32
    %mul3A_2 = arith.muli %arg0, %mul3A_1 : i32
    %add3A = arith.addi %mul3A_0, %mul3A_2 : i32
    %add3A_3 = arith.constant 0 : i32
    %add3A_4 = arith.addi %add3A, %add3A_3 : i32
    %dma_start3A = arith.constant 0 : i32
    %dma_start3A_5 = arith.constant 0 : i32
    %dma_start3A_6 = arith.constant 0 : i32
    %dma_start3A_7 = arith.constant 0 : i32
    %dma_start3A_8 = tpu.memref_slice %arg4[%dma_start3A, %dma_start3A_6, %dma_start3A_7] : memref<3x40x1024xf32, #tpu.memory_space<vmem>> -> memref<1x24x1024xf32, #tpu.memory_space<vmem>>
    %dma_start3A_9 = tpu.memref_squeeze %dma_start3A_8 : memref<1x24x1024xf32, #tpu.memory_space<vmem>> -> memref<24x1024xf32, #tpu.memory_space<vmem>>
    %dma_start3A_10 = arith.constant 0 : i32
    %dma_start3A_11 = tpu.memref_slice %arg2[%add3A_4, %dma_start3A_10] : memref<8192x1024xf32, #tpu.memory_space<hbm>> -> memref<24x1024xf32, #tpu.memory_space<hbm>>
    %dma_start3A_12 = tpu.memref_slice %arg5[%dma_start3A_5] : memref<3x!tpu.dma_semaphore, #tpu.memory_space<semaphore_mem>> -> memref<1x!tpu.dma_semaphore, #tpu.memory_space<semaphore_mem>>
    %dma_start3A_13 = tpu.memref_squeeze %dma_start3A_12 : memref<1x!tpu.dma_semaphore, #tpu.memory_space<semaphore_mem>> -> memref<!tpu.dma_semaphore, #tpu.memory_space<semaphore_mem>>
    %dma_start3A_14 = arith.constant 0 : i32
    %dma_start3A_15 = arith.constant 0 : i32
    %dma_start3A_16 = tpu.memref_slice %arg4[%dma_start3A, %dma_start3A_14, %dma_start3A_15] : memref<3x40x1024xf32, #tpu.memory_space<vmem>> -> memref<1x24x1024xf32, #tpu.memory_space<vmem>>
    %dma_start3A_17 = tpu.memref_squeeze %dma_start3A_16 : memref<1x24x1024xf32, #tpu.memory_space<vmem>> -> memref<24x1024xf32, #tpu.memory_space<vmem>>
    %dma_start3A_18 = arith.constant 0 : i32
    %dma_start3A_19 = tpu.memref_slice %arg2[%add3A_4, %dma_start3A_18] : memref<8192x1024xf32, #tpu.memory_space<hbm>> -> memref<24x1024xf32, #tpu.memory_space<hbm>>
    tpu.enqueue_dma source(%dma_start3A_19 : memref<24x1024xf32, #tpu.memory_space<hbm>>) target(%dma_start3A_17 : memref<24x1024xf32, #tpu.memory_space<vmem>>) target_semaphore(%dma_start3A_13 : memref<!tpu.dma_semaphore, #tpu.memory_space<semaphore_mem>>)
    %add3A_20 = arith.constant 24 : i32
    %add3A_21 = arith.addi %add3A, %add3A_20 : i32
    %dma_start3A_22 = arith.constant 1 : i32
    %dma_start3A_23 = arith.constant 1 : i32
    %dma_start3A_24 = arith.constant 0 : i32
    %dma_start3A_25 = arith.constant 0 : i32
    %dma_start3A_26 = tpu.memref_slice %arg4[%dma_start3A_22, %dma_start3A_24, %dma_start3A_25] : memref<3x40x1024xf32, #tpu.memory_space<vmem>> -> memref<1x40x1024xf32, #tpu.memory_space<vmem>>
    %dma_start3A_27 = tpu.memref_squeeze %dma_start3A_26 : memref<1x40x1024xf32, #tpu.memory_space<vmem>> -> memref<40x1024xf32, #tpu.memory_space<vmem>>
    %dma_start3A_28 = arith.constant 0 : i32
    %dma_start3A_29 = tpu.memref_slice %arg2[%add3A_21, %dma_start3A_28] : memref<8192x1024xf32, #tpu.memory_space<hbm>> -> memref<40x1024xf32, #tpu.memory_space<hbm>>
    %dma_start3A_30 = tpu.memref_slice %arg5[%dma_start3A_23] : memref<3x!tpu.dma_semaphore, #tpu.memory_space<semaphore_mem>> -> memref<1x!tpu.dma_semaphore, #tpu.memory_space<semaphore_mem>>
    %dma_start3A_31 = tpu.memref_squeeze %dma_start3A_30 : memref<1x!tpu.dma_semaphore, #tpu.memory_space<semaphore_mem>> -> memref<!tpu.dma_semaphore, #tpu.memory_space<semaphore_mem>>
    %dma_start3A_32 = arith.constant 0 : i32
    %dma_start3A_33 = arith.constant 0 : i32
    %dma_start3A_34 = tpu.memref_slice %arg4[%dma_start3A_22, %dma_start3A_32, %dma_start3A_33] : memref<3x40x1024xf32, #tpu.memory_space<vmem>> -> memref<1x40x1024xf32, #tpu.memory_space<vmem>>
    %dma_start3A_35 = tpu.memref_squeeze %dma_start3A_34 : memref<1x40x1024xf32, #tpu.memory_space<vmem>> -> memref<40x1024xf32, #tpu.memory_space<vmem>>
    %dma_start3A_36 = arith.constant 0 : i32
    %dma_start3A_37 = tpu.memref_slice %arg2[%add3A_21, %dma_start3A_36] : memref<8192x1024xf32, #tpu.memory_space<hbm>> -> memref<40x1024xf32, #tpu.memory_space<hbm>>
    tpu.enqueue_dma source(%dma_start3A_37 : memref<40x1024xf32, #tpu.memory_space<hbm>>) target(%dma_start3A_35 : memref<40x1024xf32, #tpu.memory_space<vmem>>) target_semaphore(%dma_start3A_31 : memref<!tpu.dma_semaphore, #tpu.memory_space<semaphore_mem>>)
    %add3A_38 = arith.constant 64 : i32
    %add3A_39 = arith.addi %add3A, %add3A_38 : i32
    %dma_start3A_40 = arith.constant 2 : i32
    %dma_start3A_41 = arith.constant 2 : i32
    %dma_start3A_42 = arith.constant 0 : i32
    %dma_start3A_43 = arith.constant 0 : i32
    %dma_start3A_44 = tpu.memref_slice %arg4[%dma_start3A_40, %dma_start3A_42, %dma_start3A_43] : memref<3x40x1024xf32, #tpu.memory_space<vmem>> -> memref<1x32x1024xf32, #tpu.memory_space<vmem>>
    %dma_start3A_45 = tpu.memref_squeeze %dma_start3A_44 : memref<1x32x1024xf32, #tpu.memory_space<vmem>> -> memref<32x1024xf32, #tpu.memory_space<vmem>>
    %dma_start3A_46 = arith.constant 0 : i32
    %dma_start3A_47 = tpu.memref_slice %arg2[%add3A_39, %dma_start3A_46] : memref<8192x1024xf32, #tpu.memory_space<hbm>> -> memref<32x1024xf32, #tpu.memory_space<hbm>>
    %dma_start3A_48 = tpu.memref_slice %arg5[%dma_start3A_41] : memref<3x!tpu.dma_semaphore, #tpu.memory_space<semaphore_mem>> -> memref<1x!tpu.dma_semaphore, #tpu.memory_space<semaphore_mem>>
    %dma_start3A_49 = tpu.memref_squeeze %dma_start3A_48 : memref<1x!tpu.dma_semaphore, #tpu.memory_space<semaphore_mem>> -> memref<!tpu.dma_semaphore, #tpu.memory_space<semaphore_mem>>
    %dma_start3A_50 = arith.constant 0 : i32
    %dma_start3A_51 = arith.constant 0 : i32
    %dma_start3A_52 = tpu.memref_slice %arg4[%dma_start3A_40, %dma_start3A_50, %dma_start3A_51] : memref<3x40x1024xf32, #tpu.memory_space<vmem>> -> memref<1x32x1024xf32, #tpu.memory_space<vmem>>
    %dma_start3A_53 = tpu.memref_squeeze %dma_start3A_52 : memref<1x32x1024xf32, #tpu.memory_space<vmem>> -> memref<32x1024xf32, #tpu.memory_space<vmem>>
    %dma_start3A_54 = arith.constant 0 : i32
    %dma_start3A_55 = tpu.memref_slice %arg2[%add3A_39, %dma_start3A_54] : memref<8192x1024xf32, #tpu.memory_space<hbm>> -> memref<32x1024xf32, #tpu.memory_space<hbm>>
    tpu.enqueue_dma source(%dma_start3A_55 : memref<32x1024xf32, #tpu.memory_space<hbm>>) target(%dma_start3A_53 : memref<32x1024xf32, #tpu.memory_space<vmem>>) target_semaphore(%dma_start3A_49 : memref<!tpu.dma_semaphore, #tpu.memory_space<semaphore_mem>>)
    %add3A_56 = arith.constant 0 : i32
    %add3A_57 = arith.addi %add3A, %add3A_56 : i32
    %dma_wait3A = arith.constant 0 : i32
    %dma_wait3A_58 = arith.constant 0 : i32
    %dma_wait3A_59 = arith.constant 0 : i32
    %dma_wait3A_60 = arith.constant 0 : i32
    %dma_wait3A_61 = tpu.memref_slice %arg4[%dma_wait3A, %dma_wait3A_59, %dma_wait3A_60] : memref<3x40x1024xf32, #tpu.memory_space<vmem>> -> memref<1x24x1024xf32, #tpu.memory_space<vmem>>
    %dma_wait3A_62 = tpu.memref_squeeze %dma_wait3A_61 : memref<1x24x1024xf32, #tpu.memory_space<vmem>> -> memref<24x1024xf32, #tpu.memory_space<vmem>>
    %dma_wait3A_63 = arith.constant 0 : i32
    %dma_wait3A_64 = tpu.memref_slice %arg2[%add3A_57, %dma_wait3A_63] : memref<8192x1024xf32, #tpu.memory_space<hbm>> -> memref<24x1024xf32, #tpu.memory_space<hbm>>
    %dma_wait3A_65 = tpu.memref_slice %arg5[%dma_wait3A_58] : memref<3x!tpu.dma_semaphore, #tpu.memory_space<semaphore_mem>> -> memref<1x!tpu.dma_semaphore, #tpu.memory_space<semaphore_mem>>
    %dma_wait3A_66 = tpu.memref_squeeze %dma_wait3A_65 : memref<1x!tpu.dma_semaphore, #tpu.memory_space<semaphore_mem>> -> memref<!tpu.dma_semaphore, #tpu.memory_space<semaphore_mem>>
    %dma_wait3A_67 = arith.constant 0 : i32
    %dma_wait3A_68 = arith.constant 0 : i32
    %dma_wait3A_69 = tpu.memref_slice %arg4[%dma_wait3A, %dma_wait3A_67, %dma_wait3A_68] : memref<3x40x1024xf32, #tpu.memory_space<vmem>> -> memref<1x24x1024xf32, #tpu.memory_space<vmem>>
    %dma_wait3A_70 = tpu.memref_squeeze %dma_wait3A_69 : memref<1x24x1024xf32, #tpu.memory_space<vmem>> -> memref<24x1024xf32, #tpu.memory_space<vmem>>
    %dma_wait3A_71 = arith.constant 0 : i32
    %dma_wait3A_72 = tpu.memref_slice %arg2[%add3A_57, %dma_wait3A_71] : memref<8192x1024xf32, #tpu.memory_space<hbm>> -> memref<24x1024xf32, #tpu.memory_space<hbm>>
    tpu.wait_dma2 semaphore(%dma_wait3A_66 : memref<!tpu.dma_semaphore, #tpu.memory_space<semaphore_mem>>) src(%dma_wait3A_72 : memref<24x1024xf32, #tpu.memory_space<hbm>>) dst(%dma_wait3A_70 : memref<24x1024xf32, #tpu.memory_space<vmem>>)
    %add3A_73 = arith.constant 0 : i32
    %add3A_74 = arith.addi %add3A, %add3A_73 : i32
    %dma_start3A_75 = arith.constant 0 : i32
    %dma_start3A_76 = arith.constant 0 : i32
    %dma_start3A_77 = arith.constant 0 : i32
    %dma_start3A_78 = arith.constant 0 : i32
    %dma_start3A_79 = tpu.memref_slice %arg4[%dma_start3A_75, %dma_start3A_77, %dma_start3A_78] : memref<3x40x1024xf32, #tpu.memory_space<vmem>> -> memref<1x24x1024xf32, #tpu.memory_space<vmem>>
    %dma_start3A_80 = tpu.memref_squeeze %dma_start3A_79 : memref<1x24x1024xf32, #tpu.memory_space<vmem>> -> memref<24x1024xf32, #tpu.memory_space<vmem>>
    %dma_start3A_81 = arith.constant 0 : i32
    %dma_start3A_82 = tpu.memref_slice %arg3[%add3A_74, %dma_start3A_81] : memref<4096x1024xf32, #tpu.memory_space<hbm>> -> memref<24x1024xf32, #tpu.memory_space<hbm>>
    %dma_start3A_83 = tpu.memref_slice %arg6[%dma_start3A_76] : memref<3x!tpu.dma_semaphore, #tpu.memory_space<semaphore_mem>> -> memref<1x!tpu.dma_semaphore, #tpu.memory_space<semaphore_mem>>
    %dma_start3A_84 = tpu.memref_squeeze %dma_start3A_83 : memref<1x!tpu.dma_semaphore, #tpu.memory_space<semaphore_mem>> -> memref<!tpu.dma_semaphore, #tpu.memory_space<semaphore_mem>>
    %dma_start3A_85 = arith.constant 0 : i32
    %dma_start3A_86 = tpu.memref_slice %arg3[%add3A_74, %dma_start3A_85] : memref<4096x1024xf32, #tpu.memory_space<hbm>> -> memref<24x1024xf32, #tpu.memory_space<hbm>>
    %dma_start3A_87 = arith.constant 0 : i32
    %dma_start3A_88 = arith.constant 0 : i32
    %dma_start3A_89 = tpu.memref_slice %arg4[%dma_start3A_75, %dma_start3A_87, %dma_start3A_88] : memref<3x40x1024xf32, #tpu.memory_space<vmem>> -> memref<1x24x1024xf32, #tpu.memory_space<vmem>>
    %dma_start3A_90 = tpu.memref_squeeze %dma_start3A_89 : memref<1x24x1024xf32, #tpu.memory_space<vmem>> -> memref<24x1024xf32, #tpu.memory_space<vmem>>
    tpu.enqueue_dma source(%dma_start3A_90 : memref<24x1024xf32, #tpu.memory_space<vmem>>) target(%dma_start3A_86 : memref<24x1024xf32, #tpu.memory_space<hbm>>) target_semaphore(%dma_start3A_84 : memref<!tpu.dma_semaphore, #tpu.memory_space<semaphore_mem>>)
    %add3A_91 = arith.constant 0 : i32
    %add3A_92 = arith.addi %add3A, %add3A_91 : i32
    %dma_wait3A_93 = arith.constant 0 : i32
    %dma_wait3A_94 = arith.constant 0 : i32
    %dma_wait3A_95 = arith.constant 0 : i32
    %dma_wait3A_96 = arith.constant 0 : i32
    %dma_wait3A_97 = tpu.memref_slice %arg4[%dma_wait3A_93, %dma_wait3A_95, %dma_wait3A_96] : memref<3x40x1024xf32, #tpu.memory_space<vmem>> -> memref<1x24x1024xf32, #tpu.memory_space<vmem>>
    %dma_wait3A_98 = tpu.memref_squeeze %dma_wait3A_97 : memref<1x24x1024xf32, #tpu.memory_space<vmem>> -> memref<24x1024xf32, #tpu.memory_space<vmem>>
    %dma_wait3A_99 = arith.constant 0 : i32
    %dma_wait3A_100 = tpu.memref_slice %arg3[%add3A_92, %dma_wait3A_99] : memref<4096x1024xf32, #tpu.memory_space<hbm>> -> memref<24x1024xf32, #tpu.memory_space<hbm>>
    %dma_wait3A_101 = tpu.memref_slice %arg6[%dma_wait3A_94] : memref<3x!tpu.dma_semaphore, #tpu.memory_space<semaphore_mem>> -> memref<1x!tpu.dma_semaphore, #tpu.memory_space<semaphore_mem>>
    %dma_wait3A_102 = tpu.memref_squeeze %dma_wait3A_101 : memref<1x!tpu.dma_semaphore, #tpu.memory_space<semaphore_mem>> -> memref<!tpu.dma_semaphore, #tpu.memory_space<semaphore_mem>>
    %dma_wait3A_103 = arith.constant 0 : i32
    %dma_wait3A_104 = tpu.memref_slice %arg3[%add3A_92, %dma_wait3A_103] : memref<4096x1024xf32, #tpu.memory_space<hbm>> -> memref<24x1024xf32, #tpu.memory_space<hbm>>
    %dma_wait3A_105 = arith.constant 0 : i32
    %dma_wait3A_106 = arith.constant 0 : i32
    %dma_wait3A_107 = tpu.memref_slice %arg4[%dma_wait3A_93, %dma_wait3A_105, %dma_wait3A_106] : memref<3x40x1024xf32, #tpu.memory_space<vmem>> -> memref<1x24x1024xf32, #tpu.memory_space<vmem>>
    %dma_wait3A_108 = tpu.memref_squeeze %dma_wait3A_107 : memref<1x24x1024xf32, #tpu.memory_space<vmem>> -> memref<24x1024xf32, #tpu.memory_space<vmem>>
    tpu.wait_dma2 semaphore(%dma_wait3A_102 : memref<!tpu.dma_semaphore, #tpu.memory_space<semaphore_mem>>) src(%dma_wait3A_108 : memref<24x1024xf32, #tpu.memory_space<vmem>>) dst(%dma_wait3A_104 : memref<24x1024xf32, #tpu.memory_space<hbm>>)
    %eq3A = arith.constant 0 : i32
    %eq3A_109 = arith.cmpi eq, %arg0, %eq3A : i32
    %convert_element_type3A = arith.extui %eq3A_109 : i1 to i32
    %cond3A = arith.constant 0 : i32
    %cond3A_110 = arith.cmpi ne, %convert_element_type3A, %cond3A : i32
    scf.if %cond3A_110 {
      %add3A_234 = arith.constant 96 : i32
      %add3A_235 = arith.addi %add3A, %add3A_234 : i32
      %dma_start3A_236 = arith.constant 0 : i32
      %dma_start3A_237 = arith.constant 0 : i32
      %dma_start3A_238 = arith.constant 0 : i32
      %dma_start3A_239 = arith.constant 0 : i32
      %dma_start3A_240 = tpu.memref_slice %arg4[%dma_start3A_236, %dma_start3A_238, %dma_start3A_239] : memref<3x40x1024xf32, #tpu.memory_space<vmem>> -> memref<1x24x1024xf32, #tpu.memory_space<vmem>>
      %dma_start3A_241 = tpu.memref_squeeze %dma_start3A_240 : memref<1x24x1024xf32, #tpu.memory_space<vmem>> -> memref<24x1024xf32, #tpu.memory_space<vmem>>
      %dma_start3A_242 = arith.constant 0 : i32
      %dma_start3A_243 = tpu.memref_slice %arg2[%add3A_235, %dma_start3A_242] : memref<8192x1024xf32, #tpu.memory_space<hbm>> -> memref<24x1024xf32, #tpu.memory_space<hbm>>
      %dma_start3A_244 = tpu.memref_slice %arg5[%dma_start3A_237] : memref<3x!tpu.dma_semaphore, #tpu.memory_space<semaphore_mem>> -> memref<1x!tpu.dma_semaphore, #tpu.memory_space<semaphore_mem>>
      %dma_start3A_245 = tpu.memref_squeeze %dma_start3A_244 : memref<1x!tpu.dma_semaphore, #tpu.memory_space<semaphore_mem>> -> memref<!tpu.dma_semaphore, #tpu.memory_space<semaphore_mem>>
      %dma_start3A_246 = arith.constant 0 : i32
      %dma_start3A_247 = arith.constant 0 : i32
      %dma_start3A_248 = tpu.memref_slice %arg4[%dma_start3A_236, %dma_start3A_246, %dma_start3A_247] : memref<3x40x1024xf32, #tpu.memory_space<vmem>> -> memref<1x24x1024xf32, #tpu.memory_space<vmem>>
      %dma_start3A_249 = tpu.memref_squeeze %dma_start3A_248 : memref<1x24x1024xf32, #tpu.memory_space<vmem>> -> memref<24x1024xf32, #tpu.memory_space<vmem>>
      %dma_start3A_250 = arith.constant 0 : i32
      %dma_start3A_251 = tpu.memref_slice %arg2[%add3A_235, %dma_start3A_250] : memref<8192x1024xf32, #tpu.memory_space<hbm>> -> memref<24x1024xf32, #tpu.memory_space<hbm>>
      tpu.enqueue_dma source(%dma_start3A_251 : memref<24x1024xf32, #tpu.memory_space<hbm>>) target(%dma_start3A_249 : memref<24x1024xf32, #tpu.memory_space<vmem>>) target_semaphore(%dma_start3A_245 : memref<!tpu.dma_semaphore, #tpu.memory_space<semaphore_mem>>)
    } else {
    }
    %eq3A_111 = arith.constant 1 : i32
    %eq3A_112 = arith.cmpi eq, %arg0, %eq3A_111 : i32
    %convert_element_type3A_113 = arith.extui %eq3A_112 : i1 to i32
    %cond3A_114 = arith.constant 0 : i32
    %cond3A_115 = arith.cmpi ne, %convert_element_type3A_113, %cond3A_114 : i32
    scf.if %cond3A_115 {
      %add3A_234 = arith.constant 96 : i32
      %add3A_235 = arith.addi %add3A, %add3A_234 : i32
      %dma_start3A_236 = arith.constant 0 : i32
      %dma_start3A_237 = arith.constant 0 : i32
      %dma_start3A_238 = arith.constant 0 : i32
      %dma_start3A_239 = arith.constant 0 : i32
      %dma_start3A_240 = tpu.memref_slice %arg4[%dma_start3A_236, %dma_start3A_238, %dma_start3A_239] : memref<3x40x1024xf32, #tpu.memory_space<vmem>> -> memref<1x40x1024xf32, #tpu.memory_space<vmem>>
      %dma_start3A_241 = tpu.memref_squeeze %dma_start3A_240 : memref<1x40x1024xf32, #tpu.memory_space<vmem>> -> memref<40x1024xf32, #tpu.memory_space<vmem>>
      %dma_start3A_242 = arith.constant 0 : i32
      %dma_start3A_243 = tpu.memref_slice %arg2[%add3A_235, %dma_start3A_242] : memref<8192x1024xf32, #tpu.memory_space<hbm>> -> memref<40x1024xf32, #tpu.memory_space<hbm>>
      %dma_start3A_244 = tpu.memref_slice %arg5[%dma_start3A_237] : memref<3x!tpu.dma_semaphore, #tpu.memory_space<semaphore_mem>> -> memref<1x!tpu.dma_semaphore, #tpu.memory_space<semaphore_mem>>
      %dma_start3A_245 = tpu.memref_squeeze %dma_start3A_244 : memref<1x!tpu.dma_semaphore, #tpu.memory_space<semaphore_mem>> -> memref<!tpu.dma_semaphore, #tpu.memory_space<semaphore_mem>>
      %dma_start3A_246 = arith.constant 0 : i32
      %dma_start3A_247 = arith.constant 0 : i32
      %dma_start3A_248 = tpu.memref_slice %arg4[%dma_start3A_236, %dma_start3A_246, %dma_start3A_247] : memref<3x40x1024xf32, #tpu.memory_space<vmem>> -> memref<1x40x1024xf32, #tpu.memory_space<vmem>>
      %dma_start3A_249 = tpu.memref_squeeze %dma_start3A_248 : memref<1x40x1024xf32, #tpu.memory_space<vmem>> -> memref<40x1024xf32, #tpu.memory_space<vmem>>
      %dma_start3A_250 = arith.constant 0 : i32
      %dma_start3A_251 = tpu.memref_slice %arg2[%add3A_235, %dma_start3A_250] : memref<8192x1024xf32, #tpu.memory_space<hbm>> -> memref<40x1024xf32, #tpu.memory_space<hbm>>
      tpu.enqueue_dma source(%dma_start3A_251 : memref<40x1024xf32, #tpu.memory_space<hbm>>) target(%dma_start3A_249 : memref<40x1024xf32, #tpu.memory_space<vmem>>) target_semaphore(%dma_start3A_245 : memref<!tpu.dma_semaphore, #tpu.memory_space<semaphore_mem>>)
    } else {
    }
    %add3A_116 = arith.constant 24 : i32
    %add3A_117 = arith.addi %add3A, %add3A_116 : i32
    %dma_wait3A_118 = arith.constant 1 : i32
    %dma_wait3A_119 = arith.constant 1 : i32
    %dma_wait3A_120 = arith.constant 0 : i32
    %dma_wait3A_121 = arith.constant 0 : i32
    %dma_wait3A_122 = tpu.memref_slice %arg4[%dma_wait3A_118, %dma_wait3A_120, %dma_wait3A_121] : memref<3x40x1024xf32, #tpu.memory_space<vmem>> -> memref<1x40x1024xf32, #tpu.memory_space<vmem>>
    %dma_wait3A_123 = tpu.memref_squeeze %dma_wait3A_122 : memref<1x40x1024xf32, #tpu.memory_space<vmem>> -> memref<40x1024xf32, #tpu.memory_space<vmem>>
    %dma_wait3A_124 = arith.constant 0 : i32
    %dma_wait3A_125 = tpu.memref_slice %arg2[%add3A_117, %dma_wait3A_124] : memref<8192x1024xf32, #tpu.memory_space<hbm>> -> memref<40x1024xf32, #tpu.memory_space<hbm>>
    %dma_wait3A_126 = tpu.memref_slice %arg5[%dma_wait3A_119] : memref<3x!tpu.dma_semaphore, #tpu.memory_space<semaphore_mem>> -> memref<1x!tpu.dma_semaphore, #tpu.memory_space<semaphore_mem>>
    %dma_wait3A_127 = tpu.memref_squeeze %dma_wait3A_126 : memref<1x!tpu.dma_semaphore, #tpu.memory_space<semaphore_mem>> -> memref<!tpu.dma_semaphore, #tpu.memory_space<semaphore_mem>>
    %dma_wait3A_128 = arith.constant 0 : i32
    %dma_wait3A_129 = arith.constant 0 : i32
    %dma_wait3A_130 = tpu.memref_slice %arg4[%dma_wait3A_118, %dma_wait3A_128, %dma_wait3A_129] : memref<3x40x1024xf32, #tpu.memory_space<vmem>> -> memref<1x40x1024xf32, #tpu.memory_space<vmem>>
    %dma_wait3A_131 = tpu.memref_squeeze %dma_wait3A_130 : memref<1x40x1024xf32, #tpu.memory_space<vmem>> -> memref<40x1024xf32, #tpu.memory_space<vmem>>
    %dma_wait3A_132 = arith.constant 0 : i32
    %dma_wait3A_133 = tpu.memref_slice %arg2[%add3A_117, %dma_wait3A_132] : memref<8192x1024xf32, #tpu.memory_space<hbm>> -> memref<40x1024xf32, #tpu.memory_space<hbm>>
    tpu.wait_dma2 semaphore(%dma_wait3A_127 : memref<!tpu.dma_semaphore, #tpu.memory_space<semaphore_mem>>) src(%dma_wait3A_133 : memref<40x1024xf32, #tpu.memory_space<hbm>>) dst(%dma_wait3A_131 : memref<40x1024xf32, #tpu.memory_space<vmem>>)
    %add3A_134 = arith.constant 24 : i32
    %add3A_135 = arith.addi %add3A, %add3A_134 : i32
    %dma_start3A_136 = arith.constant 1 : i32
    %dma_start3A_137 = arith.constant 1 : i32
    %dma_start3A_138 = arith.constant 0 : i32
    %dma_start3A_139 = arith.constant 0 : i32
    %dma_start3A_140 = tpu.memref_slice %arg4[%dma_start3A_136, %dma_start3A_138, %dma_start3A_139] : memref<3x40x1024xf32, #tpu.memory_space<vmem>> -> memref<1x40x1024xf32, #tpu.memory_space<vmem>>
    %dma_start3A_141 = tpu.memref_squeeze %dma_start3A_140 : memref<1x40x1024xf32, #tpu.memory_space<vmem>> -> memref<40x1024xf32, #tpu.memory_space<vmem>>
    %dma_start3A_142 = arith.constant 0 : i32
    %dma_start3A_143 = tpu.memref_slice %arg3[%add3A_135, %dma_start3A_142] : memref<4096x1024xf32, #tpu.memory_space<hbm>> -> memref<40x1024xf32, #tpu.memory_space<hbm>>
    %dma_start3A_144 = tpu.memref_slice %arg6[%dma_start3A_137] : memref<3x!tpu.dma_semaphore, #tpu.memory_space<semaphore_mem>> -> memref<1x!tpu.dma_semaphore, #tpu.memory_space<semaphore_mem>>
    %dma_start3A_145 = tpu.memref_squeeze %dma_start3A_144 : memref<1x!tpu.dma_semaphore, #tpu.memory_space<semaphore_mem>> -> memref<!tpu.dma_semaphore, #tpu.memory_space<semaphore_mem>>
    %dma_start3A_146 = arith.constant 0 : i32
    %dma_start3A_147 = tpu.memref_slice %arg3[%add3A_135, %dma_start3A_146] : memref<4096x1024xf32, #tpu.memory_space<hbm>> -> memref<40x1024xf32, #tpu.memory_space<hbm>>
    %dma_start3A_148 = arith.constant 0 : i32
    %dma_start3A_149 = arith.constant 0 : i32
    %dma_start3A_150 = tpu.memref_slice %arg4[%dma_start3A_136, %dma_start3A_148, %dma_start3A_149] : memref<3x40x1024xf32, #tpu.memory_space<vmem>> -> memref<1x40x1024xf32, #tpu.memory_space<vmem>>
    %dma_start3A_151 = tpu.memref_squeeze %dma_start3A_150 : memref<1x40x1024xf32, #tpu.memory_space<vmem>> -> memref<40x1024xf32, #tpu.memory_space<vmem>>
    tpu.enqueue_dma source(%dma_start3A_151 : memref<40x1024xf32, #tpu.memory_space<vmem>>) target(%dma_start3A_147 : memref<40x1024xf32, #tpu.memory_space<hbm>>) target_semaphore(%dma_start3A_145 : memref<!tpu.dma_semaphore, #tpu.memory_space<semaphore_mem>>)
    %add3A_152 = arith.constant 64 : i32
    %add3A_153 = arith.addi %add3A, %add3A_152 : i32
    %dma_wait3A_154 = arith.constant 2 : i32
    %dma_wait3A_155 = arith.constant 2 : i32
    %dma_wait3A_156 = arith.constant 0 : i32
    %dma_wait3A_157 = arith.constant 0 : i32
    %dma_wait3A_158 = tpu.memref_slice %arg4[%dma_wait3A_154, %dma_wait3A_156, %dma_wait3A_157] : memref<3x40x1024xf32, #tpu.memory_space<vmem>> -> memref<1x32x1024xf32, #tpu.memory_space<vmem>>
    %dma_wait3A_159 = tpu.memref_squeeze %dma_wait3A_158 : memref<1x32x1024xf32, #tpu.memory_space<vmem>> -> memref<32x1024xf32, #tpu.memory_space<vmem>>
    %dma_wait3A_160 = arith.constant 0 : i32
    %dma_wait3A_161 = tpu.memref_slice %arg2[%add3A_153, %dma_wait3A_160] : memref<8192x1024xf32, #tpu.memory_space<hbm>> -> memref<32x1024xf32, #tpu.memory_space<hbm>>
    %dma_wait3A_162 = tpu.memref_slice %arg5[%dma_wait3A_155] : memref<3x!tpu.dma_semaphore, #tpu.memory_space<semaphore_mem>> -> memref<1x!tpu.dma_semaphore, #tpu.memory_space<semaphore_mem>>
    %dma_wait3A_163 = tpu.memref_squeeze %dma_wait3A_162 : memref<1x!tpu.dma_semaphore, #tpu.memory_space<semaphore_mem>> -> memref<!tpu.dma_semaphore, #tpu.memory_space<semaphore_mem>>
    %dma_wait3A_164 = arith.constant 0 : i32
    %dma_wait3A_165 = arith.constant 0 : i32
    %dma_wait3A_166 = tpu.memref_slice %arg4[%dma_wait3A_154, %dma_wait3A_164, %dma_wait3A_165] : memref<3x40x1024xf32, #tpu.memory_space<vmem>> -> memref<1x32x1024xf32, #tpu.memory_space<vmem>>
    %dma_wait3A_167 = tpu.memref_squeeze %dma_wait3A_166 : memref<1x32x1024xf32, #tpu.memory_space<vmem>> -> memref<32x1024xf32, #tpu.memory_space<vmem>>
    %dma_wait3A_168 = arith.constant 0 : i32
    %dma_wait3A_169 = tpu.memref_slice %arg2[%add3A_153, %dma_wait3A_168] : memref<8192x1024xf32, #tpu.memory_space<hbm>> -> memref<32x1024xf32, #tpu.memory_space<hbm>>
    tpu.wait_dma2 semaphore(%dma_wait3A_163 : memref<!tpu.dma_semaphore, #tpu.memory_space<semaphore_mem>>) src(%dma_wait3A_169 : memref<32x1024xf32, #tpu.memory_space<hbm>>) dst(%dma_wait3A_167 : memref<32x1024xf32, #tpu.memory_space<vmem>>)
    %add3A_170 = arith.constant 64 : i32
    %add3A_171 = arith.addi %add3A, %add3A_170 : i32
    %dma_start3A_172 = arith.constant 2 : i32
    %dma_start3A_173 = arith.constant 2 : i32
    %dma_start3A_174 = arith.constant 0 : i32
    %dma_start3A_175 = arith.constant 0 : i32
    %dma_start3A_176 = tpu.memref_slice %arg4[%dma_start3A_172, %dma_start3A_174, %dma_start3A_175] : memref<3x40x1024xf32, #tpu.memory_space<vmem>> -> memref<1x32x1024xf32, #tpu.memory_space<vmem>>
    %dma_start3A_177 = tpu.memref_squeeze %dma_start3A_176 : memref<1x32x1024xf32, #tpu.memory_space<vmem>> -> memref<32x1024xf32, #tpu.memory_space<vmem>>
    %dma_start3A_178 = arith.constant 0 : i32
    %dma_start3A_179 = tpu.memref_slice %arg3[%add3A_171, %dma_start3A_178] : memref<4096x1024xf32, #tpu.memory_space<hbm>> -> memref<32x1024xf32, #tpu.memory_space<hbm>>
    %dma_start3A_180 = tpu.memref_slice %arg6[%dma_start3A_173] : memref<3x!tpu.dma_semaphore, #tpu.memory_space<semaphore_mem>> -> memref<1x!tpu.dma_semaphore, #tpu.memory_space<semaphore_mem>>
    %dma_start3A_181 = tpu.memref_squeeze %dma_start3A_180 : memref<1x!tpu.dma_semaphore, #tpu.memory_space<semaphore_mem>> -> memref<!tpu.dma_semaphore, #tpu.memory_space<semaphore_mem>>
    %dma_start3A_182 = arith.constant 0 : i32
    %dma_start3A_183 = tpu.memref_slice %arg3[%add3A_171, %dma_start3A_182] : memref<4096x1024xf32, #tpu.memory_space<hbm>> -> memref<32x1024xf32, #tpu.memory_space<hbm>>
    %dma_start3A_184 = arith.constant 0 : i32
    %dma_start3A_185 = arith.constant 0 : i32
    %dma_start3A_186 = tpu.memref_slice %arg4[%dma_start3A_172, %dma_start3A_184, %dma_start3A_185] : memref<3x40x1024xf32, #tpu.memory_space<vmem>> -> memref<1x32x1024xf32, #tpu.memory_space<vmem>>
    %dma_start3A_187 = tpu.memref_squeeze %dma_start3A_186 : memref<1x32x1024xf32, #tpu.memory_space<vmem>> -> memref<32x1024xf32, #tpu.memory_space<vmem>>
    tpu.enqueue_dma source(%dma_start3A_187 : memref<32x1024xf32, #tpu.memory_space<vmem>>) target(%dma_start3A_183 : memref<32x1024xf32, #tpu.memory_space<hbm>>) target_semaphore(%dma_start3A_181 : memref<!tpu.dma_semaphore, #tpu.memory_space<semaphore_mem>>)
    %eq3A_188 = arith.constant 0 : i32
    %eq3A_189 = arith.cmpi eq, %arg0, %eq3A_188 : i32
    %convert_element_type3A_190 = arith.extui %eq3A_189 : i1 to i32
    %cond3A_191 = arith.constant 0 : i32
    %cond3A_192 = arith.cmpi ne, %convert_element_type3A_190, %cond3A_191 : i32
    scf.if %cond3A_192 {
      %add3A_234 = arith.constant 96 : i32
      %add3A_235 = arith.addi %add3A, %add3A_234 : i32
      %dma_wait3A_236 = arith.constant 0 : i32
      %dma_wait3A_237 = arith.constant 0 : i32
      %dma_wait3A_238 = arith.constant 0 : i32
      %dma_wait3A_239 = arith.constant 0 : i32
      %dma_wait3A_240 = tpu.memref_slice %arg4[%dma_wait3A_236, %dma_wait3A_238, %dma_wait3A_239] : memref<3x40x1024xf32, #tpu.memory_space<vmem>> -> memref<1x24x1024xf32, #tpu.memory_space<vmem>>
      %dma_wait3A_241 = tpu.memref_squeeze %dma_wait3A_240 : memref<1x24x1024xf32, #tpu.memory_space<vmem>> -> memref<24x1024xf32, #tpu.memory_space<vmem>>
      %dma_wait3A_242 = arith.constant 0 : i32
      %dma_wait3A_243 = tpu.memref_slice %arg2[%add3A_235, %dma_wait3A_242] : memref<8192x1024xf32, #tpu.memory_space<hbm>> -> memref<24x1024xf32, #tpu.memory_space<hbm>>
      %dma_wait3A_244 = tpu.memref_slice %arg5[%dma_wait3A_237] : memref<3x!tpu.dma_semaphore, #tpu.memory_space<semaphore_mem>> -> memref<1x!tpu.dma_semaphore, #tpu.memory_space<semaphore_mem>>
      %dma_wait3A_245 = tpu.memref_squeeze %dma_wait3A_244 : memref<1x!tpu.dma_semaphore, #tpu.memory_space<semaphore_mem>> -> memref<!tpu.dma_semaphore, #tpu.memory_space<semaphore_mem>>
      %dma_wait3A_246 = arith.constant 0 : i32
      %dma_wait3A_247 = arith.constant 0 : i32
      %dma_wait3A_248 = tpu.memref_slice %arg4[%dma_wait3A_236, %dma_wait3A_246, %dma_wait3A_247] : memref<3x40x1024xf32, #tpu.memory_space<vmem>> -> memref<1x24x1024xf32, #tpu.memory_space<vmem>>
      %dma_wait3A_249 = tpu.memref_squeeze %dma_wait3A_248 : memref<1x24x1024xf32, #tpu.memory_space<vmem>> -> memref<24x1024xf32, #tpu.memory_space<vmem>>
      %dma_wait3A_250 = arith.constant 0 : i32
      %dma_wait3A_251 = tpu.memref_slice %arg2[%add3A_235, %dma_wait3A_250] : memref<8192x1024xf32, #tpu.memory_space<hbm>> -> memref<24x1024xf32, #tpu.memory_space<hbm>>
      tpu.wait_dma2 semaphore(%dma_wait3A_245 : memref<!tpu.dma_semaphore, #tpu.memory_space<semaphore_mem>>) src(%dma_wait3A_251 : memref<24x1024xf32, #tpu.memory_space<hbm>>) dst(%dma_wait3A_249 : memref<24x1024xf32, #tpu.memory_space<vmem>>)
      %add3A_252 = arith.constant 96 : i32
      %add3A_253 = arith.addi %add3A, %add3A_252 : i32
      %dma_start3A_254 = arith.constant 0 : i32
      %dma_start3A_255 = arith.constant 0 : i32
      %dma_start3A_256 = arith.constant 0 : i32
      %dma_start3A_257 = arith.constant 0 : i32
      %dma_start3A_258 = tpu.memref_slice %arg4[%dma_start3A_254, %dma_start3A_256, %dma_start3A_257] : memref<3x40x1024xf32, #tpu.memory_space<vmem>> -> memref<1x24x1024xf32, #tpu.memory_space<vmem>>
      %dma_start3A_259 = tpu.memref_squeeze %dma_start3A_258 : memref<1x24x1024xf32, #tpu.memory_space<vmem>> -> memref<24x1024xf32, #tpu.memory_space<vmem>>
      %dma_start3A_260 = arith.constant 0 : i32
      %dma_start3A_261 = tpu.memref_slice %arg3[%add3A_253, %dma_start3A_260] : memref<4096x1024xf32, #tpu.memory_space<hbm>> -> memref<24x1024xf32, #tpu.memory_space<hbm>>
      %dma_start3A_262 = tpu.memref_slice %arg6[%dma_start3A_255] : memref<3x!tpu.dma_semaphore, #tpu.memory_space<semaphore_mem>> -> memref<1x!tpu.dma_semaphore, #tpu.memory_space<semaphore_mem>>
      %dma_start3A_263 = tpu.memref_squeeze %dma_start3A_262 : memref<1x!tpu.dma_semaphore, #tpu.memory_space<semaphore_mem>> -> memref<!tpu.dma_semaphore, #tpu.memory_space<semaphore_mem>>
      %dma_start3A_264 = arith.constant 0 : i32
      %dma_start3A_265 = tpu.memref_slice %arg3[%add3A_253, %dma_start3A_264] : memref<4096x1024xf32, #tpu.memory_space<hbm>> -> memref<24x1024xf32, #tpu.memory_space<hbm>>
      %dma_start3A_266 = arith.constant 0 : i32
      %dma_start3A_267 = arith.constant 0 : i32
      %dma_start3A_268 = tpu.memref_slice %arg4[%dma_start3A_254, %dma_start3A_266, %dma_start3A_267] : memref<3x40x1024xf32, #tpu.memory_space<vmem>> -> memref<1x24x1024xf32, #tpu.memory_space<vmem>>
      %dma_start3A_269 = tpu.memref_squeeze %dma_start3A_268 : memref<1x24x1024xf32, #tpu.memory_space<vmem>> -> memref<24x1024xf32, #tpu.memory_space<vmem>>
      tpu.enqueue_dma source(%dma_start3A_269 : memref<24x1024xf32, #tpu.memory_space<vmem>>) target(%dma_start3A_265 : memref<24x1024xf32, #tpu.memory_space<hbm>>) target_semaphore(%dma_start3A_263 : memref<!tpu.dma_semaphore, #tpu.memory_space<semaphore_mem>>)
      %add3A_270 = arith.constant 96 : i32
      %add3A_271 = arith.addi %add3A, %add3A_270 : i32
      %dma_wait3A_272 = arith.constant 0 : i32
      %dma_wait3A_273 = arith.constant 0 : i32
      %dma_wait3A_274 = arith.constant 0 : i32
      %dma_wait3A_275 = arith.constant 0 : i32
      %dma_wait3A_276 = tpu.memref_slice %arg4[%dma_wait3A_272, %dma_wait3A_274, %dma_wait3A_275] : memref<3x40x1024xf32, #tpu.memory_space<vmem>> -> memref<1x24x1024xf32, #tpu.memory_space<vmem>>
      %dma_wait3A_277 = tpu.memref_squeeze %dma_wait3A_276 : memref<1x24x1024xf32, #tpu.memory_space<vmem>> -> memref<24x1024xf32, #tpu.memory_space<vmem>>
      %dma_wait3A_278 = arith.constant 0 : i32
      %dma_wait3A_279 = tpu.memref_slice %arg3[%add3A_271, %dma_wait3A_278] : memref<4096x1024xf32, #tpu.memory_space<hbm>> -> memref<24x1024xf32, #tpu.memory_space<hbm>>
      %dma_wait3A_280 = tpu.memref_slice %arg6[%dma_wait3A_273] : memref<3x!tpu.dma_semaphore, #tpu.memory_space<semaphore_mem>> -> memref<1x!tpu.dma_semaphore, #tpu.memory_space<semaphore_mem>>
      %dma_wait3A_281 = tpu.memref_squeeze %dma_wait3A_280 : memref<1x!tpu.dma_semaphore, #tpu.memory_space<semaphore_mem>> -> memref<!tpu.dma_semaphore, #tpu.memory_space<semaphore_mem>>
      %dma_wait3A_282 = arith.constant 0 : i32
      %dma_wait3A_283 = tpu.memref_slice %arg3[%add3A_271, %dma_wait3A_282] : memref<4096x1024xf32, #tpu.memory_space<hbm>> -> memref<24x1024xf32, #tpu.memory_space<hbm>>
      %dma_wait3A_284 = arith.constant 0 : i32
      %dma_wait3A_285 = arith.constant 0 : i32
      %dma_wait3A_286 = tpu.memref_slice %arg4[%dma_wait3A_272, %dma_wait3A_284, %dma_wait3A_285] : memref<3x40x1024xf32, #tpu.memory_space<vmem>> -> memref<1x24x1024xf32, #tpu.memory_space<vmem>>
      %dma_wait3A_287 = tpu.memref_squeeze %dma_wait3A_286 : memref<1x24x1024xf32, #tpu.memory_space<vmem>> -> memref<24x1024xf32, #tpu.memory_space<vmem>>
      tpu.wait_dma2 semaphore(%dma_wait3A_281 : memref<!tpu.dma_semaphore, #tpu.memory_space<semaphore_mem>>) src(%dma_wait3A_287 : memref<24x1024xf32, #tpu.memory_space<vmem>>) dst(%dma_wait3A_283 : memref<24x1024xf32, #tpu.memory_space<hbm>>)
    } else {
    }
    %eq3A_193 = arith.constant 1 : i32
    %eq3A_194 = arith.cmpi eq, %arg0, %eq3A_193 : i32
    %convert_element_type3A_195 = arith.extui %eq3A_194 : i1 to i32
    %cond3A_196 = arith.constant 0 : i32
    %cond3A_197 = arith.cmpi ne, %convert_element_type3A_195, %cond3A_196 : i32
    scf.if %cond3A_197 {
      %add3A_234 = arith.constant 96 : i32
      %add3A_235 = arith.addi %add3A, %add3A_234 : i32
      %dma_wait3A_236 = arith.constant 0 : i32
      %dma_wait3A_237 = arith.constant 0 : i32
      %dma_wait3A_238 = arith.constant 0 : i32
      %dma_wait3A_239 = arith.constant 0 : i32
      %dma_wait3A_240 = tpu.memref_slice %arg4[%dma_wait3A_236, %dma_wait3A_238, %dma_wait3A_239] : memref<3x40x1024xf32, #tpu.memory_space<vmem>> -> memref<1x40x1024xf32, #tpu.memory_space<vmem>>
      %dma_wait3A_241 = tpu.memref_squeeze %dma_wait3A_240 : memref<1x40x1024xf32, #tpu.memory_space<vmem>> -> memref<40x1024xf32, #tpu.memory_space<vmem>>
      %dma_wait3A_242 = arith.constant 0 : i32
      %dma_wait3A_243 = tpu.memref_slice %arg2[%add3A_235, %dma_wait3A_242] : memref<8192x1024xf32, #tpu.memory_space<hbm>> -> memref<40x1024xf32, #tpu.memory_space<hbm>>
      %dma_wait3A_244 = tpu.memref_slice %arg5[%dma_wait3A_237] : memref<3x!tpu.dma_semaphore, #tpu.memory_space<semaphore_mem>> -> memref<1x!tpu.dma_semaphore, #tpu.memory_space<semaphore_mem>>
      %dma_wait3A_245 = tpu.memref_squeeze %dma_wait3A_244 : memref<1x!tpu.dma_semaphore, #tpu.memory_space<semaphore_mem>> -> memref<!tpu.dma_semaphore, #tpu.memory_space<semaphore_mem>>
      %dma_wait3A_246 = arith.constant 0 : i32
      %dma_wait3A_247 = arith.constant 0 : i32
      %dma_wait3A_248 = tpu.memref_slice %arg4[%dma_wait3A_236, %dma_wait3A_246, %dma_wait3A_247] : memref<3x40x1024xf32, #tpu.memory_space<vmem>> -> memref<1x40x1024xf32, #tpu.memory_space<vmem>>
      %dma_wait3A_249 = tpu.memref_squeeze %dma_wait3A_248 : memref<1x40x1024xf32, #tpu.memory_space<vmem>> -> memref<40x1024xf32, #tpu.memory_space<vmem>>
      %dma_wait3A_250 = arith.constant 0 : i32
      %dma_wait3A_251 = tpu.memref_slice %arg2[%add3A_235, %dma_wait3A_250] : memref<8192x1024xf32, #tpu.memory_space<hbm>> -> memref<40x1024xf32, #tpu.memory_space<hbm>>
      tpu.wait_dma2 semaphore(%dma_wait3A_245 : memref<!tpu.dma_semaphore, #tpu.memory_space<semaphore_mem>>) src(%dma_wait3A_251 : memref<40x1024xf32, #tpu.memory_space<hbm>>) dst(%dma_wait3A_249 : memref<40x1024xf32, #tpu.memory_space<vmem>>)
      %add3A_252 = arith.constant 96 : i32
      %add3A_253 = arith.addi %add3A, %add3A_252 : i32
      %dma_start3A_254 = arith.constant 0 : i32
      %dma_start3A_255 = arith.constant 0 : i32
      %dma_start3A_256 = arith.constant 0 : i32
      %dma_start3A_257 = arith.constant 0 : i32
      %dma_start3A_258 = tpu.memref_slice %arg4[%dma_start3A_254, %dma_start3A_256, %dma_start3A_257] : memref<3x40x1024xf32, #tpu.memory_space<vmem>> -> memref<1x40x1024xf32, #tpu.memory_space<vmem>>
      %dma_start3A_259 = tpu.memref_squeeze %dma_start3A_258 : memref<1x40x1024xf32, #tpu.memory_space<vmem>> -> memref<40x1024xf32, #tpu.memory_space<vmem>>
      %dma_start3A_260 = arith.constant 0 : i32
      %dma_start3A_261 = tpu.memref_slice %arg3[%add3A_253, %dma_start3A_260] : memref<4096x1024xf32, #tpu.memory_space<hbm>> -> memref<40x1024xf32, #tpu.memory_space<hbm>>
      %dma_start3A_262 = tpu.memref_slice %arg6[%dma_start3A_255] : memref<3x!tpu.dma_semaphore, #tpu.memory_space<semaphore_mem>> -> memref<1x!tpu.dma_semaphore, #tpu.memory_space<semaphore_mem>>
      %dma_start3A_263 = tpu.memref_squeeze %dma_start3A_262 : memref<1x!tpu.dma_semaphore, #tpu.memory_space<semaphore_mem>> -> memref<!tpu.dma_semaphore, #tpu.memory_space<semaphore_mem>>
      %dma_start3A_264 = arith.constant 0 : i32
      %dma_start3A_265 = tpu.memref_slice %arg3[%add3A_253, %dma_start3A_264] : memref<4096x1024xf32, #tpu.memory_space<hbm>> -> memref<40x1024xf32, #tpu.memory_space<hbm>>
      %dma_start3A_266 = arith.constant 0 : i32
      %dma_start3A_267 = arith.constant 0 : i32
      %dma_start3A_268 = tpu.memref_slice %arg4[%dma_start3A_254, %dma_start3A_266, %dma_start3A_267] : memref<3x40x1024xf32, #tpu.memory_space<vmem>> -> memref<1x40x1024xf32, #tpu.memory_space<vmem>>
      %dma_start3A_269 = tpu.memref_squeeze %dma_start3A_268 : memref<1x40x1024xf32, #tpu.memory_space<vmem>> -> memref<40x1024xf32, #tpu.memory_space<vmem>>
      tpu.enqueue_dma source(%dma_start3A_269 : memref<40x1024xf32, #tpu.memory_space<vmem>>) target(%dma_start3A_265 : memref<40x1024xf32, #tpu.memory_space<hbm>>) target_semaphore(%dma_start3A_263 : memref<!tpu.dma_semaphore, #tpu.memory_space<semaphore_mem>>)
      %add3A_270 = arith.constant 96 : i32
      %add3A_271 = arith.addi %add3A, %add3A_270 : i32
      %dma_wait3A_272 = arith.constant 0 : i32
      %dma_wait3A_273 = arith.constant 0 : i32
      %dma_wait3A_274 = arith.constant 0 : i32
      %dma_wait3A_275 = arith.constant 0 : i32
      %dma_wait3A_276 = tpu.memref_slice %arg4[%dma_wait3A_272, %dma_wait3A_274, %dma_wait3A_275] : memref<3x40x1024xf32, #tpu.memory_space<vmem>> -> memref<1x40x1024xf32, #tpu.memory_space<vmem>>
      %dma_wait3A_277 = tpu.memref_squeeze %dma_wait3A_276 : memref<1x40x1024xf32, #tpu.memory_space<vmem>> -> memref<40x1024xf32, #tpu.memory_space<vmem>>
      %dma_wait3A_278 = arith.constant 0 : i32
      %dma_wait3A_279 = tpu.memref_slice %arg3[%add3A_271, %dma_wait3A_278] : memref<4096x1024xf32, #tpu.memory_space<hbm>> -> memref<40x1024xf32, #tpu.memory_space<hbm>>
      %dma_wait3A_280 = tpu.memref_slice %arg6[%dma_wait3A_273] : memref<3x!tpu.dma_semaphore, #tpu.memory_space<semaphore_mem>> -> memref<1x!tpu.dma_semaphore, #tpu.memory_space<semaphore_mem>>
      %dma_wait3A_281 = tpu.memref_squeeze %dma_wait3A_280 : memref<1x!tpu.dma_semaphore, #tpu.memory_space<semaphore_mem>> -> memref<!tpu.dma_semaphore, #tpu.memory_space<semaphore_mem>>
      %dma_wait3A_282 = arith.constant 0 : i32
      %dma_wait3A_283 = tpu.memref_slice %arg3[%add3A_271, %dma_wait3A_282] : memref<4096x1024xf32, #tpu.memory_space<hbm>> -> memref<40x1024xf32, #tpu.memory_space<hbm>>
      %dma_wait3A_284 = arith.constant 0 : i32
      %dma_wait3A_285 = arith.constant 0 : i32
      %dma_wait3A_286 = tpu.memref_slice %arg4[%dma_wait3A_272, %dma_wait3A_284, %dma_wait3A_285] : memref<3x40x1024xf32, #tpu.memory_space<vmem>> -> memref<1x40x1024xf32, #tpu.memory_space<vmem>>
      %dma_wait3A_287 = tpu.memref_squeeze %dma_wait3A_286 : memref<1x40x1024xf32, #tpu.memory_space<vmem>> -> memref<40x1024xf32, #tpu.memory_space<vmem>>
      tpu.wait_dma2 semaphore(%dma_wait3A_281 : memref<!tpu.dma_semaphore, #tpu.memory_space<semaphore_mem>>) src(%dma_wait3A_287 : memref<40x1024xf32, #tpu.memory_space<vmem>>) dst(%dma_wait3A_283 : memref<40x1024xf32, #tpu.memory_space<hbm>>)
    } else {
    }
    %add3A_198 = arith.constant 24 : i32
    %add3A_199 = arith.addi %add3A, %add3A_198 : i32
    %dma_wait3A_200 = arith.constant 1 : i32
    %dma_wait3A_201 = arith.constant 1 : i32
    %dma_wait3A_202 = arith.constant 0 : i32
    %dma_wait3A_203 = arith.constant 0 : i32
    %dma_wait3A_204 = tpu.memref_slice %arg4[%dma_wait3A_200, %dma_wait3A_202, %dma_wait3A_203] : memref<3x40x1024xf32, #tpu.memory_space<vmem>> -> memref<1x40x1024xf32, #tpu.memory_space<vmem>>
    %dma_wait3A_205 = tpu.memref_squeeze %dma_wait3A_204 : memref<1x40x1024xf32, #tpu.memory_space<vmem>> -> memref<40x1024xf32, #tpu.memory_space<vmem>>
    %dma_wait3A_206 = arith.constant 0 : i32
    %dma_wait3A_207 = tpu.memref_slice %arg3[%add3A_199, %dma_wait3A_206] : memref<4096x1024xf32, #tpu.memory_space<hbm>> -> memref<40x1024xf32, #tpu.memory_space<hbm>>
    %dma_wait3A_208 = tpu.memref_slice %arg6[%dma_wait3A_201] : memref<3x!tpu.dma_semaphore, #tpu.memory_space<semaphore_mem>> -> memref<1x!tpu.dma_semaphore, #tpu.memory_space<semaphore_mem>>
    %dma_wait3A_209 = tpu.memref_squeeze %dma_wait3A_208 : memref<1x!tpu.dma_semaphore, #tpu.memory_space<semaphore_mem>> -> memref<!tpu.dma_semaphore, #tpu.memory_space<semaphore_mem>>
    %dma_wait3A_210 = arith.constant 0 : i32
    %dma_wait3A_211 = tpu.memref_slice %arg3[%add3A_199, %dma_wait3A_210] : memref<4096x1024xf32, #tpu.memory_space<hbm>> -> memref<40x1024xf32, #tpu.memory_space<hbm>>
    %dma_wait3A_212 = arith.constant 0 : i32
    %dma_wait3A_213 = arith.constant 0 : i32
    %dma_wait3A_214 = tpu.memref_slice %arg4[%dma_wait3A_200, %dma_wait3A_212, %dma_wait3A_213] : memref<3x40x1024xf32, #tpu.memory_space<vmem>> -> memref<1x40x1024xf32, #tpu.memory_space<vmem>>
    %dma_wait3A_215 = tpu.memref_squeeze %dma_wait3A_214 : memref<1x40x1024xf32, #tpu.memory_space<vmem>> -> memref<40x1024xf32, #tpu.memory_space<vmem>>
    tpu.wait_dma2 semaphore(%dma_wait3A_209 : memref<!tpu.dma_semaphore, #tpu.memory_space<semaphore_mem>>) src(%dma_wait3A_215 : memref<40x1024xf32, #tpu.memory_space<vmem>>) dst(%dma_wait3A_211 : memref<40x1024xf32, #tpu.memory_space<hbm>>)
    %add3A_216 = arith.constant 64 : i32
    %add3A_217 = arith.addi %add3A, %add3A_216 : i32
    %dma_wait3A_218 = arith.constant 2 : i32
    %dma_wait3A_219 = arith.constant 2 : i32
    %dma_wait3A_220 = arith.constant 0 : i32
    %dma_wait3A_221 = arith.constant 0 : i32
    %dma_wait3A_222 = tpu.memref_slice %arg4[%dma_wait3A_218, %dma_wait3A_220, %dma_wait3A_221] : memref<3x40x1024xf32, #tpu.memory_space<vmem>> -> memref<1x32x1024xf32, #tpu.memory_space<vmem>>
    %dma_wait3A_223 = tpu.memref_squeeze %dma_wait3A_222 : memref<1x32x1024xf32, #tpu.memory_space<vmem>> -> memref<32x1024xf32, #tpu.memory_space<vmem>>
    %dma_wait3A_224 = arith.constant 0 : i32
    %dma_wait3A_225 = tpu.memref_slice %arg3[%add3A_217, %dma_wait3A_224] : memref<4096x1024xf32, #tpu.memory_space<hbm>> -> memref<32x1024xf32, #tpu.memory_space<hbm>>
    %dma_wait3A_226 = tpu.memref_slice %arg6[%dma_wait3A_219] : memref<3x!tpu.dma_semaphore, #tpu.memory_space<semaphore_mem>> -> memref<1x!tpu.dma_semaphore, #tpu.memory_space<semaphore_mem>>
    %dma_wait3A_227 = tpu.memref_squeeze %dma_wait3A_226 : memref<1x!tpu.dma_semaphore, #tpu.memory_space<semaphore_mem>> -> memref<!tpu.dma_semaphore, #tpu.memory_space<semaphore_mem>>
    %dma_wait3A_228 = arith.constant 0 : i32
    %dma_wait3A_229 = tpu.memref_slice %arg3[%add3A_217, %dma_wait3A_228] : memref<4096x1024xf32, #tpu.memory_space<hbm>> -> memref<32x1024xf32, #tpu.memory_space<hbm>>
    %dma_wait3A_230 = arith.constant 0 : i32
    %dma_wait3A_231 = arith.constant 0 : i32
    %dma_wait3A_232 = tpu.memref_slice %arg4[%dma_wait3A_218, %dma_wait3A_230, %dma_wait3A_231] : memref<3x40x1024xf32, #tpu.memory_space<vmem>> -> memref<1x32x1024xf32, #tpu.memory_space<vmem>>
    %dma_wait3A_233 = tpu.memref_squeeze %dma_wait3A_232 : memref<1x32x1024xf32, #tpu.memory_space<vmem>> -> memref<32x1024xf32, #tpu.memory_space<vmem>>
    tpu.wait_dma2 semaphore(%dma_wait3A_227 : memref<!tpu.dma_semaphore, #tpu.memory_space<semaphore_mem>>) src(%dma_wait3A_233 : memref<32x1024xf32, #tpu.memory_space<vmem>>) dst(%dma_wait3A_229 : memref<32x1024xf32, #tpu.memory_space<hbm>>)
    return
  }
}

</mosaic_0001>

<sc_bundles>
// kernel: _position_embedding.3.cloned.1.call-start
scs
__scs_entry_jumppad:
0x0: {  	(pc) =	sbr.rel $0x88, $3  }
0x1: {  	(tag) =	ssettag $0x0;
	lr =	simm.s32 $0x1  }
0x2: {  	[smem:$0x3FA0] =	sst lr;
	_ =	strace $0xD0000000  }
0x3: {  	_ = 	snop  }
0x4: {  	_ = 	snop  }
0x5: {  	_ = 	snop  }
0x6: {  	_ = 	snop  }
0x7: {  	_ = 	snop  }
__scs_overlays_trampoline_lowered:
0x8: {  	[smem:$0x3FAF] =	sst s0  }
0x9: {  	[smem:$0x3FB0] =	sst s1  }
0xa: {  	[smem:$0x3FB1] =	sst s2  }
0xb: {  	[smem:$0x3FB2] =	sst s3  }
0xc: {  	[smem:$0x3FB3] =	sst s4  }
0xd: {  	[smem:$0x3FB4] =	sst s5  }
0xe: {  	[smem:$0x3FB5] =	sst s6  }
0xf: {  	[smem:$0x3FB6] =	sst s7  }
0x10: {  	[smem:$0x3FB7] =	sst s8  }
0x11: {  	[smem:$0x3FB8] =	sst s9;
	s0 =	simm.s32 @!p0 $0x0  }
0x12: {  	s1 =	sld [smem:$0x3F9E];
	s0 =	simm.s32 @p0 $0x1  }
0x13: {  	[smem:$0x3FB9] =	sst s0;
	s0 =	simm.s32 @!p1 $0x0  }
0x14: {  	s2 =	sld [smem:$0x3F9D];
	s0 =	simm.s32 @p1 $0x1  }
0x15: {  	[smem:$0x3FBA] =	sst s0;
	s0 =	simm.s32 @!p2 $0x0  }
0x16: {  	s3 =	sld [smem:$0x3FDB];
	s0 =	simm.s32 @p2 $0x1  }
0x17: {  	s4 =	simm.s32 $0x1BF5;
	[smem:$0x3FBC] =	sst s0  }
0x18: {  	s0 =	sld [smem:$0x3F9F];
	_ =	swait.ge [sflag:s4], $0x0  }
0x19: {  	s7 =	sld [smem:$0x3FA0]  }
0x1a: {  	s8 =	sadd.s32 $0xFFFFE003, lr  }
0x1b: {  	s9 =	sadd.s32 $0xFFFFFEF7, lr;
	s5 =	simm.s32 $0xFFFFFFFF;
	p2 =	slt.u32 s8, $0xFFFFF086  }
0x1c: {  	p1 =	slt.u32 s9, $0xF7A;
	s5 =	simm.s32 @!p2 $0x0  }
0x1d: {  	s5 =	simm.s32 @p1 $0x1;
	p0 =	seq.s32 s7, s2  }
0x1e: {  	s7 =	smul.u32 @!p0 $0xF7A, s2;
	p2 =	seq.s32 @!p0 s5, $0x0  }
0x1f: {  	s9 =	smul.u32 $0xF7A, s1;
	s8 =	simm.s32 @!p0 $0x1BF5;
	p2 =	por !p2, p0  }
0x20: {  	[sflag:s8] =	ssyncset.s32 @!p0 $0xFFFFF086;
	s6 =	sadd.s32 @!p0 s3, s7;
	s7 =	simm.s32 @!p0 $0x108  }
0x21: {  	s3 =	sadd.s32 s3, s9;
	s6 =	sadd.s32 @!p0 $0x88, s6;
	s7 =	simm.s32 @p2 $0x1082  }
0x22: {  	[simem:s7], [sflag:s8] =	dma.local @!p0 [hbm:s6], $0xF7A  }
0x23: {  	s9 =	sor.u32 $0xD0000000, s2;
	s6 =	simm.s32 $0x108;
	_ =	swait.ge @!p0 [sflag:s8], $0x0  }
0x24: {  	s3 =	sadd.s32 $0x88, s3;
	s6 =	simm.s32 @!p1 $0x1082;
	[sflag:s4] =	ssyncset.s32 $0xFFFFF086  }
0x25: {  	[simem:s6], [sflag:s4] =	dma.local [hbm:s3], $0xF7A  }
0x26: {  	[smem:$0x3FA0] =	sst s1;
	(tag) =	ssettag s2;
	_ =	strace s9  }
0x27: {  	s1 =	sld [smem:$0x3FB0]  }
0x28: {  	s2 =	sld [smem:$0x3FB1]  }
0x29: {  	s4 =	sld [smem:$0x3FB3]  }
0x2a: {  	p0 =	seq.s32 s5, $0x0;
	s5 =	sld [smem:$0x3FB4]  }
0x2b: {  	s6 =	sld [smem:$0x3FB5]  }
0x2c: {  	s7 =	sld [smem:$0x3FB6]  }
0x2d: {  	s3 =	simm.s32 $0x108;
	s8 =	sld [smem:$0x3FB7]  }
0x2e: {  	s3 =	simm.s32 @!p0 $0x1082;
	s9 =	sld [smem:$0x3FB8]  }
0x2f: {  	lr =	sadd.s32 s0, s3;
	s0 =	sld [smem:$0x3FAF]  }
0x30: {  	s3 =	sld [smem:$0x3FB2]  }
0x31: {  	[smem:$0x3FBB] =	sst s10  }
0x32: {  	s10 =	sld [smem:$0x3FB9];
	_ =	sdelay $0x3  }
0x33: {  	p0 =	seq.s32 s10, $0x1;
	s10 =	sld [smem:$0x3FBB];
	_ =	sdelay $0x3  }
0x34: {  	[smem:$0x3FBB] =	sst s10  }
0x35: {  	s10 =	sld [smem:$0x3FBA];
	_ =	sdelay $0x3  }
0x36: {  	p1 =	seq.s32 s10, $0x1;
	s10 =	sld [smem:$0x3FBB];
	_ =	sdelay $0x3  }
0x37: {  	[smem:$0x3FBB] =	sst s10  }
0x38: {  	s10 =	sld [smem:$0x3FBC]  }
0x39: {  	_ = 	snop;
	(pc) =	sbr.ind lr, $3  }
0x3a: {  	_ = 	snop  }
0x3b: {  	_ = 	snop  }
0x3c: {  	p2 =	seq.s32 s10, $0x1;
	s10 =	sld [smem:$0x3FBB]  }
0x3d: {  	_ =	shalt  }
0x3e: {  	_ =	shalt  }
0x3f: {  	_ =	shalt  }
0x40: {  	_ =	shalt  }
0x41: {  	_ =	shalt  }
0x42: {  	_ =	shalt  }
0x43: {  	_ =	shalt  }
0x44: {  	_ =	shalt  }
0x45: {  	_ =	shalt  }
0x46: {  	_ =	shalt  }
0x47: {  	_ =	shalt  }
0x48: {  	_ =	shalt  }
0x49: {  	_ =	shalt  }
0x4a: {  	_ =	shalt  }
0x4b: {  	_ =	shalt  }
0x4c: {  	_ =	shalt  }
0x4d: {  	_ =	shalt  }
0x4e: {  	_ =	shalt  }
0x4f: {  	_ =	shalt  }
0x50: {  	_ =	shalt  }
0x51: {  	_ =	shalt  }
0x52: {  	_ =	shalt  }
0x53: {  	_ =	shalt  }
0x54: {  	_ =	shalt  }
0x55: {  	_ =	shalt  }
0x56: {  	_ =	shalt  }
0x57: {  	_ =	shalt  }
0x58: {  	_ =	shalt  }
0x59: {  	_ =	shalt  }
0x5a: {  	_ =	shalt  }
0x5b: {  	_ =	shalt  }
0x5c: {  	_ =	shalt  }
0x5d: {  	_ =	shalt  }
0x5e: {  	_ =	shalt  }
0x5f: {  	_ =	shalt  }
0x60: {  	_ =	shalt  }
0x61: {  	_ =	shalt  }
0x62: {  	_ =	shalt  }
0x63: {  	_ =	shalt  }
0x64: {  	_ =	shalt  }
0x65: {  	_ =	shalt  }
0x66: {  	_ =	shalt  }
0x67: {  	_ =	shalt  }
0x68: {  	_ =	shalt  }
0x69: {  	_ =	shalt  }
0x6a: {  	_ =	shalt  }
0x6b: {  	_ =	shalt  }
0x6c: {  	_ =	shalt  }
0x6d: {  	_ =	shalt  }
0x6e: {  	_ =	shalt  }
0x6f: {  	_ =	shalt  }
0x70: {  	_ =	shalt  }
0x71: {  	_ =	shalt  }
0x72: {  	_ =	shalt  }
0x73: {  	_ =	shalt  }
0x74: {  	_ =	shalt  }
0x75: {  	_ =	shalt  }
0x76: {  	_ =	shalt  }
0x77: {  	_ =	shalt  }
0x78: {  	_ =	shalt  }
0x79: {  	_ =	shalt  }
0x7a: {  	_ =	shalt  }
0x7b: {  	_ =	shalt  }
0x7c: {  	_ =	shalt  }
0x7d: {  	_ =	shalt  }
0x7e: {  	_ =	shalt  }
0x7f: {  	_ =	shalt  }
0x80: {  	_ =	shalt  }
0x81: {  	_ =	shalt  }
0x82: {  	_ =	shalt  }
0x83: {  	_ =	shalt  }
0x84: {  	_ =	shalt  }
0x85: {  	_ =	shalt  }
0x86: {  	_ =	shalt  }
0x87: {  	_ =	shalt  }
.Lfunc_end0:
.L_simem_size_0:
called_computation_lowered:
.L_overlay_start_0:
0x88: {  	s2 =	sld [smem:$0x3FD9]  }
0x89: {  	s3 =	sld [smem:$0x3FFE];
	_ =	sdelay $0x1  }
0x8a: {  	s1 =	srdreg.scid  }
0x8b: {  	s0 =	sand.u32 $0x1, s1  }
0x8c: {  	s18 =	sshll.u32 s0, $0xA;
	s2 =	sadd.s32 s3, s2  }
0x8d: {  	s2 =	sadd.s32 s2, s18  }
0x8e: {  	[smem:$0x3FC7] =	sst s2  }
0x8f: {  	_ = 	snop  }
0x90: {  	s2 =	sld [smem:$0x3FC9]  }
0x91: {  	s19 =	sld [smem:$0x3FD0];
	(tm) =	ssettm $0x1  }
0x92: {  	s4 =	sld [smem:$0x3FFB];
	_ =	sdelay $0x3  }
0x93: {  	_ =	strace s4  }
0x94: {  	s4 =	sld [smem:$0x3FFC];
	_ =	sdelay $0x3  }
0x95: {  	_ =	strace s4  }
0x96: {  	s4 =	sld [smem:$0x3FFD];
	_ =	sdelay $0x3  }
0x97: {  	_ =	strace s4  }
0x98: {  	_ =	strace $0x8FFFFFFF  }
0x99: {  	s20 =	sld [smem:$0x3FDB];
	_ =	sdelay $0x1  }
0x9a: {  	s5 =	simm.s32 $_scs_section_size  }
0x9b: {  	s6 =	simm.s32 $_size__tile_overlayer_lowered;
	s7 =	simm.s32 $_tile_overlayer_lowered  }
0x9c: {  	s23 =	simm.s32 $0x1BFF;
	s22 =	sshll.u32 s7, $0x1;
	s4 =	sadd.s32 s5, s20  }
0x9d: {  	s8 =	simm.s32 $0x0;
	s21 =	sshll.u32 s6, $0x1;
	s6 =	sadd.s32 s22, s4  }
0x9e: {  	[timem:s8], [sflag:s23] =	dma.local [hbm:s6], s21  }
0x9f: {  	_ =	swait.ge [sflag:s23], s21  }
0xa0: {  	s5 =	ssub.s32 $0x0, s21;
	[sflag:s23] =	ssyncset.done $0x0  }
0xa1: {  	[sflag:s23] =	ssyncadd.s32 s5;
	_ =	sdelay $0x1  }
0xa2: {  	s24 =	simm.s32 $0x1B8B  }
0xa3: {  	_ =	swait.ge [sflag:s24], $0x1  }
0xa4: {  	[sflag:s24] =	ssyncset.done $0x0  }
0xa5: {  	s25 =	simm.s32 $0x1B8E;
	[sflag:s24] =	ssyncadd.s32 $0xFFFFFFFF  }
0xa6: {  	s26 =	simm.s32 $execute0_lowered;
	[smem:$0x3FD2] =	sst s25  }
0xa7: {  	s5 =	sshll.u32 s26, $0x1;
	_ =	strace $0x80000046;
	[dreg:$0x1] =	wrdreg $0xFFFFFFFF  }
0xa8: {  	s28 =	simm.s32 $_size_execute0_lowered;
	s4 =	sadd.s32 s4, s5;
	[dreg:$0x0] =	wrdreg $0x0  }
0xa9: {  	s5 =	sshll.u32 s28, $0x1;
	[dreg:$0x2] =	wrdreg s4  }
0xaa: {  	[dreg:$0x3] =	wrdreg s5  }
0xab: {  	[dreg:$0x4] =	wrdreg $0xC0  }
0xac: {  	_ =	task [dreg:s8], $0x5FFFF  }
0xad: {  	[dreg:$0x1] =	wrdreg $0xFFFFFFFF  }
0xae: {  	[dreg:$0x0] =	wrdreg $0x60  }
0xaf: {  	[dreg:$0x2] =	wrdreg s2  }
0xb0: {  	[dreg:$0x3] =	wrdreg s19  }
0xb1: {  	[dreg:$0x4] =	wrdreg $0x9  }
0xb2: {  	_ =	task.clear_ibuf [dreg:s8], $0x5FFFF;
	_ =	strace $0x90000046  }
0xb3: {  	s29 =	simm.s32 $0x9;
	_ =	strace $0x80000048  }
0xb4: {  	_ =	swait.ge [sflag:s29], $0x1  }
0xb5: {  	[sflag:s29] =	ssyncadd.s32 $0xFFFFFFFF  }
0xb6: {  	_ =	strace $0x90000048  }
0xb7: {  	_ =	sfence  }
0xb8: {  	s30 =	sld [smem:$0x0];
	_ =	sdelay $0x2  }
0xb9: {  	s31 =	sshll.u32 s1, $0xD;
	s1 =	sshrl.u32 s1, $0x2  }
0xba: {  	s3 =	sand.u32 $0x4000, s31;
	s1 =	sadd.s32 s1, s30  }
0xbb: {  	s0 =	sor.u32 s3, s0;
	s1 =	sshll.u32 s1, $0x11  }
0xbc: {  	s0 =	sor.u32 s1, s0  }
0xbd: {  	s0 =	sadd.s32 $0x8F2B, s0  }
0xbe: {  	[sflag:s0] =	ssyncadd.remote.s32 $0x1  }
0xbf: {  	_ =	sfence.sel $0xFFFF  }
0xc0: {  	[dreg:$0x0] =	wrdreg $0xFFFFFFFF;
	(pc) =	sbr.abs _section_cstart, $3  }
0xc1: {  	[dreg:$0x1] =	wrdreg $0xFFFFFFFF  }
0xc2: {  	_ =	task.clear_ibuf [dreg:s8], $0x2FFFF;
	_ =	strace $0x9FFFFFFF  }
0xc3: {  	(tm) =	ssettm $0x7FFFFFFF  }
tec
execute0_lowered:
.L_overlay_start_1:
0x0: {  	(tag) =	ssettag $0x1  }
0x1: {  	s12 =	rddreg [dreg:$0x0];
	s0 =	srdreg.scid  }
0x2: {  	s23 =	rddreg [dreg:$0x1];
	s25 =	sand.u32 $0x1, s0  }
0x3: {  	s1 =	stileid.u32;
	s3 =	smul.u32 $0x3C00, s25  }
0x4: {  	s2 =	simm.s32 $0x0;
	s0 =	rddreg [dreg:$0x2];
	s24 =	sshll.u32 s1, $0xF  }
0x5: {  	[smem:$0x7FF] =	sst s2;
	s11 =	sor.u32 s3, s24  }
0x6: {  	_ =	strace $0x80000047;
	s3 =	sadd.s32 s12, s11;
	s16 =	sadd.s32 $0xC00, s11  }
0x7: {  	[tilespmem:s2], [sflag:$0x1] =	stream.linear.gather [hbm4b:s3+s2], $0x6000, $0x38;
	[tilespmem:$0x1E000] =	vst v63  }
0x8: {  	s5 =	simm.s32 $0xA000;
	s18 =	sadd.s32 $0x2000, s11;
	s4 =	sadd.s32 s12, s16  }
0x9: {  	[tilespmem:s5], [sflag:$0x2] =	stream.linear.gather [hbm4b:s4+s2], $0xA000, $0x38;
	[tilespmem:$0x1E000] =	vst v63  }
0xa: {  	s7 =	simm.s32 $0x14000;
	s8 =	simm.s32 $0x1;
	s6 =	sadd.s32 s12, s18  }
0xb: {  	[tilespmem:s7], [sflag:$0x3] =	stream.linear.gather [hbm4b:s6+s2], $0x8000, $0x38;
	[tilespmem:$0x1E000] =	vst v63  }
0xc: {  	_ =	swait.ge [sflag:s8], $0x6000  }
0xd: {  	[sflag:s8] =	ssyncset.done $0x0  }
0xe: {  	s10 =	simm.s32 $0x4;
	s9 =	sadd.s32 s23, s11;
	[sflag:s8] =	ssyncadd.s32 $0xFFFFA000  }
0xf: {  	[hbm4b:s9+s2] =	stream.linear.scatter [tilespmem:s2], [sflag:$0x4], $0x6000, $0x38;
	[tilespmem:$0x1E000] =	vst v63  }
0x10: {  	p0 =	sne.s32 s25, $0x0;
	_ =	swait.ge [sflag:s10], $0x6000  }
0x11: {  	s13 =	sadd.s32 s24, s12;
	s20 =	sadd.s32 $0x3000, s11;
	[sflag:s10] =	ssyncset.done $0x0  }
0x12: {  	s11 =	sadd.s32 s12, s20;
	s12 =	simm.s32 @p0 $0x0;
	[sflag:s10] =	ssyncadd.s32 $0xFFFFA000  }
0x13: {  	[tilespmem:s12], [sflag:$0x1] =	stream.linear.gather @p0 [hbm4b:s11+s12], $0xA000, $0x38;
	[tilespmem:$0x1E000] =	vst v63  }
0x14: {  	s14 =	simm.s32 $0x2;
	s13 =	sadd.s32 $0x3000, s13;
	s15 =	simm.s32 @!p0 $0x0  }
0x15: {  	[tilespmem:s15], [sflag:$0x1] =	stream.linear.gather @!p0 [hbm4b:s13+s15], $0x6000, $0x38;
	[tilespmem:$0x1E000] =	vst v63  }
0x16: {  	_ =	swait.ge [sflag:s14], $0xA000  }
0x17: {  	[sflag:s14] =	ssyncset.done $0x0  }
0x18: {  	s17 =	simm.s32 $0x3;
	s16 =	sadd.s32 s23, s16;
	[sflag:s14] =	ssyncadd.s32 $0xFFFF6000  }
0x19: {  	[hbm4b:s16+s2] =	stream.linear.scatter [tilespmem:s5], [sflag:$0x5], $0xA000, $0x38;
	[tilespmem:$0x1E000] =	vst v63  }
0x1a: {  	_ =	swait.ge [sflag:s17], $0x8000  }
0x1b: {  	[sflag:s17] =	ssyncset.done $0x0  }
0x1c: {  	s19 =	simm.s32 @p0 $0x1;
	s18 =	sadd.s32 s23, s18;
	[sflag:s17] =	ssyncadd.s32 $0xFFFF8000  }
0x1d: {  	[hbm4b:s18+s2] =	stream.linear.scatter [tilespmem:s7], [sflag:$0x6], $0x8000, $0x38;
	[tilespmem:$0x1E000] =	vst v63  }
0x1e: {  	_ =	swait.ge @p0 [sflag:s19], $0xA000  }
0x1f: {  	[sflag:s19] =	ssyncset.done @p0 $0x0  }
0x20: {  	s21 =	simm.s32 @p0 $0x4;
	s20 =	sadd.s32 s23, s20;
	[sflag:s19] =	ssyncadd.s32 @p0 $0xFFFF6000  }
0x21: {  	[hbm4b:s20+s12] =	stream.linear.scatter @p0 [tilespmem:s12], [sflag:$0x4], $0xA000, $0x38;
	[tilespmem:$0x1E000] =	vst v63  }
0x22: {  	_ =	swait.ge @p0 [sflag:s21], $0xA000  }
0x23: {  	[sflag:s21] =	ssyncset.done @p0 $0x0  }
0x24: {  	s26 =	ssub.s32 $0x2, s25;
	s22 =	simm.s32 @!p0 $0x1;
	[sflag:s21] =	ssyncadd.s32 @p0 $0xFFFF6000  }
0x25: {  	s28 =	sshrl.u32 s26, $0x1;
	_ =	swait.ge @!p0 [sflag:s22], $0x6000  }
0x26: {  	s26 =	ssub.s32 s26, s28;
	s23 =	sadd.s32 s24, s23;
	[sflag:s22] =	ssyncset.done @!p0 $0x0  }
0x27: {  	s24 =	simm.s32 @!p0 $0x4;
	s23 =	sadd.s32 $0x3000, s23;
	[sflag:s22] =	ssyncadd.s32 @!p0 $0xFFFFA000  }
0x28: {  	[hbm4b:s23+s15] =	stream.linear.scatter @!p0 [tilespmem:s15], [sflag:$0x4], $0x6000, $0x38;
	[tilespmem:$0x1E000] =	vst v63  }
0x29: {  	s26 =	smax.u32 s26, $0x1;
	_ =	swait.ge @!p0 [sflag:s24], $0x6000  }
0x2a: {  	s26 =	sadd.s32 $0xFFFFFFFF, s26;
	[sflag:s24] =	ssyncset.done @!p0 $0x0  }
0x2b: {  	s25 =	simm.s32 $0x5;
	p1 =	sne.s32 s26, $0x0;
	[sflag:s24] =	ssyncadd.s32 @!p0 $0xFFFFA000  }
.Ltmp0:
0x2c: {  	_ =	swait.ge [sflag:s25], $0xA000;
	(pc) =	sbr.rel @!p1 .LBB2_2-.Ltmp0, $4  }
0x2d: {  	[sflag:s25] =	ssyncset.done $0x0  }
0x2e: {  	s28 =	simm.s32 $0x6;
	[sflag:s25] =	ssyncadd.s32 $0xFFFF6000  }
0x2f: {  	_ =	swait.ge [sflag:s28], $0x8000  }
0x30: {  	[sflag:s28] =	ssyncset.done $0x0  }
.LBB2_1:
0x31: {  	s26 =	sadd.s32 $0xFFFFFFFF, s26;
	[sflag:s28] =	ssyncadd.s32 $0xFFFF8000  }
0x32: {  	[tilespmem:s2], [sflag:$0x1] =	stream.linear.gather [hbm4b:s3+s2], $0x6000, $0x38;
	[tilespmem:$0x1E000] =	vst v63  }
0x33: {  	p1 =	sne.s32 s26, $0x0  }
0x34: {  	[tilespmem:s5], [sflag:$0x2] =	stream.linear.gather [hbm4b:s4+s2], $0xA000, $0x38;
	[tilespmem:$0x1E000] =	vst v63  }
0x35: {  	_ = 	snop  }
0x36: {  	[tilespmem:s7], [sflag:$0x3] =	stream.linear.gather [hbm4b:s6+s2], $0x8000, $0x38;
	[tilespmem:$0x1E000] =	vst v63  }
0x37: {  	_ =	swait.ge [sflag:s8], $0x6000  }
0x38: {  	[sflag:s8] =	ssyncset.done $0x0  }
0x39: {  	[sflag:s8] =	ssyncadd.s32 $0xFFFFA000  }
0x3a: {  	[hbm4b:s9+s2] =	stream.linear.scatter [tilespmem:s2], [sflag:$0x4], $0x6000, $0x38;
	[tilespmem:$0x1E000] =	vst v63  }
0x3b: {  	_ =	swait.ge [sflag:s10], $0x6000  }
0x3c: {  	[sflag:s10] =	ssyncset.done $0x0  }
0x3d: {  	[sflag:s10] =	ssyncadd.s32 $0xFFFFA000  }
0x3e: {  	[tilespmem:s12], [sflag:$0x1] =	stream.linear.gather @p0 [hbm4b:s11+s12], $0xA000, $0x38;
	[tilespmem:$0x1E000] =	vst v63  }
0x3f: {  	_ = 	snop  }
0x40: {  	[tilespmem:s15], [sflag:$0x1] =	stream.linear.gather @!p0 [hbm4b:s13+s15], $0x6000, $0x38;
	[tilespmem:$0x1E000] =	vst v63  }
0x41: {  	_ =	swait.ge [sflag:s14], $0xA000  }
0x42: {  	[sflag:s14] =	ssyncset.done $0x0  }
0x43: {  	[sflag:s14] =	ssyncadd.s32 $0xFFFF6000  }
0x44: {  	[hbm4b:s16+s2] =	stream.linear.scatter [tilespmem:s5], [sflag:$0x5], $0xA000, $0x38;
	[tilespmem:$0x1E000] =	vst v63  }
0x45: {  	_ =	swait.ge [sflag:s17], $0x8000  }
0x46: {  	[sflag:s17] =	ssyncset.done $0x0  }
0x47: {  	[sflag:s17] =	ssyncadd.s32 $0xFFFF8000  }
0x48: {  	[hbm4b:s18+s2] =	stream.linear.scatter [tilespmem:s7], [sflag:$0x6], $0x8000, $0x38;
	[tilespmem:$0x1E000] =	vst v63  }
0x49: {  	_ =	swait.ge @p0 [sflag:s19], $0xA000  }
0x4a: {  	[sflag:s19] =	ssyncset.done @p0 $0x0  }
0x4b: {  	[sflag:s19] =	ssyncadd.s32 @p0 $0xFFFF6000  }
0x4c: {  	[hbm4b:s20+s12] =	stream.linear.scatter @p0 [tilespmem:s12], [sflag:$0x4], $0xA000, $0x38;
	[tilespmem:$0x1E000] =	vst v63  }
0x4d: {  	_ =	swait.ge @p0 [sflag:s21], $0xA000  }
0x4e: {  	[sflag:s21] =	ssyncset.done @p0 $0x0  }
0x4f: {  	[sflag:s21] =	ssyncadd.s32 @p0 $0xFFFF6000  }
0x50: {  	_ =	swait.ge @!p0 [sflag:s22], $0x6000  }
0x51: {  	[sflag:s22] =	ssyncset.done @!p0 $0x0  }
0x52: {  	[sflag:s22] =	ssyncadd.s32 @!p0 $0xFFFFA000  }
0x53: {  	[hbm4b:s23+s15] =	stream.linear.scatter @!p0 [tilespmem:s15], [sflag:$0x4], $0x6000, $0x38;
	[tilespmem:$0x1E000] =	vst v63  }
0x54: {  	_ =	swait.ge @!p0 [sflag:s24], $0x6000  }
0x55: {  	[sflag:s24] =	ssyncset.done @!p0 $0x0  }
0x56: {  	[sflag:s24] =	ssyncadd.s32 @!p0 $0xFFFFA000  }
.Ltmp1:
0x57: {  	_ =	swait.ge [sflag:s25], $0xA000;
	(pc) =	sbr.rel @p1 .LBB2_1-.Ltmp1, $4  }
0x58: {  	[sflag:s25] =	ssyncset.done $0x0  }
0x59: {  	[sflag:s25] =	ssyncadd.s32 $0xFFFF6000  }
0x5a: {  	_ =	swait.ge [sflag:s28], $0x8000  }
0x5b: {  	[sflag:s28] =	ssyncset.done $0x0  }
.LBB2_2:
0x5c: {  	[sflag:s28] =	ssyncadd.s32 $0xFFFF8000  }
0x5d: {  	_ =	sfence.sel $0x180000  }
0x5e: {  	[bflag:$0x0] =	sbarrier.arrive $0xFFFF  }
0x5f: {  	p0 =	sne.s32 s1, $0x0;
	_ =	strace $0x90000047  }
0x60: {  	s0 =	sadd.s32 @!p0 $0x100000, s0;
	[bflag:$0x2] =	sbarrier.arrive $0xFFFF  }
0x61: {  	[sflag:s0] =	ssyncadd.tile.s32 @!p0 $0x1;
	_ =	shalt  }
.Lfunc_end2:
_tile_overlayer_lowered:
.L_overlay_start_2:
0x62: {  	(tag) =	ssettag $0x2  }
0x63: {  	s0 =	rddreg [dreg:$0x0];
	s2 =	stileid.u32  }
0x64: {  	s1 =	rddreg [dreg:$0x1];
	p0 =	sne.s32 s2, $0x0  }
0x65: {  	s3 =	rddreg [dreg:$0x2];
	[bflag:$0x3] =	sbarrier.arrive $0xFFFF;
	s2 =	simm.s32 @!p0 $0x1C07  }
0x66: {  	[timem:s3], [sflag:s2] =	dma.local @!p0 [hbm:s0], s1  }
0x67: {  	s0 =	simm.s32 @!p0 $0x7  }
0x68: {  	_ =	swait.ge @!p0 [sflag:s0], s1  }
0x69: {  	s1 =	ssub.s32 @!p0 $0x0, s1;
	[sflag:s0] =	ssyncset.done @!p0 $0x0  }
0x6a: {  	[sflag:s0] =	ssyncadd.s32 @!p0 s1  }
0x6b: {  	[bflag:$0x3] =	sbarrier.arrive $0xFFFF  }
0x6c: {  	_ =	shalt  }

</sc_bundles>
